<compile_context>
chip_gen: v7x
topology: tpu7x:2x2x1
jax: 0.10.2.dev20260603
libtpu: 0.0.44.dev20260713+nightly
codegen_flags: <defaults>
</compile_context>

<pallas_src>
import functools
import jax
import jax.numpy as jnp
from jax import lax
from jax.experimental import pallas as pl
from jax.experimental.pallas import tpu as pltpu
from jax.experimental.pallas import tpu_sc as plsc

_CHUNK = 16384
_LANES = 16
_UNROLL = 8


def kernel(inputs):
    m, n = inputs.shape
    total = m * n
    info = plsc.get_sparse_core_info()
    nw = info.num_cores * info.num_subcores
    per_w = total // nw
    nchunks = per_w // _CHUNK
    assert per_w % _CHUNK == 0 and nchunks % 2 == 0 and nchunks >= 4

    mesh = plsc.VectorSubcoreMesh(core_axis_name="c", subcore_axis_name="s")

    @functools.partial(
        pl.kernel,
        mesh=mesh,
        out_type=jax.ShapeDtypeStruct((total,), jnp.float32),
        scratch_types=[
            pltpu.VMEM((_CHUNK,), jnp.float32),
            pltpu.VMEM((_CHUNK,), jnp.float32),
            pltpu.VMEM((_CHUNK,), jnp.float32),
            pltpu.VMEM((_CHUNK,), jnp.float32),
            pltpu.SemaphoreType.DMA,
            pltpu.SemaphoreType.DMA,
            pltpu.SemaphoreType.DMA,
            pltpu.SemaphoreType.DMA,
        ],
    )
    def _sc_shift(x_hbm, o_hbm, i0, i1, o0, o1, si0, si1, so0, so1):
        wid = lax.axis_index("s") * info.num_cores + lax.axis_index("c")
        base = wid * per_w
        ibufs, obufs = (i0, i1), (o0, o1)
        isems, osems = (si0, si1), (so0, so1)

        def start_in(ci, b):
            pltpu.async_copy(x_hbm.at[pl.ds(base + ci * _CHUNK, _CHUNK)],
                             ibufs[b], isems[b])

        def wait_in(ci, b):
            pltpu.make_async_copy(x_hbm.at[pl.ds(base + ci * _CHUNK, _CHUNK)],
                                  ibufs[b], isems[b]).wait()

        def start_out(ci, b):
            pltpu.async_copy(obufs[b],
                             o_hbm.at[pl.ds(base + ci * _CHUNK, _CHUNK)],
                             osems[b])

        def wait_out(ci, b):
            pltpu.make_async_copy(obufs[b],
                                  o_hbm.at[pl.ds(base + ci * _CHUNK, _CHUNK)],
                                  osems[b]).wait()

        def compute(b):
            pass

        start_in(0, 0)
        start_in(1, 1)
        for b in range(2):
            wait_in(b, b)
            compute(b)
            start_out(b, b)
            start_in(b + 2, b)

        def pair_body(k, _):
            ci0 = 2 + k * 2
            for b in range(2):
                ci = ci0 + b
                wait_in(ci, b)
                wait_out(ci - 2, b)
                compute(b)
                start_out(ci, b)

                @pl.when(ci + 2 < nchunks)
                def _():
                    start_in(ci + 2, b)

            return 0

        lax.fori_loop(0, (nchunks - 2) // 2, pair_body, 0)

        wait_out(nchunks - 2, 0)
        wait_out(nchunks - 1, 1)

    flat = inputs.reshape(total)
    out = _sc_shift(flat)
    return out.reshape(m, n)

# --- scband reference (transcript-rebuilt; emitter-appended) ---
"""Pipeline reference for scband-knnbuffer-aha-87144886436102 (READ-ONLY COPY).

The authoritative reference and input builder live on the scoring server;
editing this copy changes nothing except your own understanding.
"""

import jax, jax.numpy as jnp
import numpy as np


def setup_inputs(seed: int = 0) -> dict:
    key = jax.random.key(seed)
    inputs = jax.random.normal(key, (65536, 512), dtype=jnp.float32)
    return {"inputs": inputs}


def reference(inputs):
    # KNNBuffer_AHA.forward in training ('study') mode with shift_range=True:
    #   inputs = (inputs > 0).float(); inputs[inputs == 0] = -1
    #   buffer_batch = inputs; buffer = cat(buffer, inputs.unsqueeze(1))
    #   return buffer_batch
    shifted = jnp.where(inputs > 0, 1.0, -1.0).astype(jnp.float32)
    # The stored buffer is module state (shifted patterns, unsqueezed on dim 1);
    # the forward output is buffer_batch == shifted.
    return shifted

if __name__ == "__main__":
    import jax
    _d = setup_inputs()
    print(jax.jit(kernel)(*tuple(_d.values())))

</pallas_src>

<mosaic_0001>
#map = affine_map<(d0, d1) -> (0)>
module attributes {stable_mosaic.version = 14 : i64} {
  func.func @_sc_shift(%arg0: i32, %arg1: i32, %arg2: memref<33554432xf32, #tpu.memory_space<hbm>>, %arg3: memref<33554432xf32, #tpu.memory_space<hbm>>, %arg4: memref<16384xf32, #tpu.memory_space<vmem>>, %arg5: memref<16384xf32, #tpu.memory_space<vmem>>, %arg6: memref<16384xf32, #tpu.memory_space<vmem>>, %arg7: memref<16384xf32, #tpu.memory_space<vmem>>, %arg8: memref<!tpu.dma_semaphore, #tpu.memory_space<semaphore_mem>>, %arg9: memref<!tpu.dma_semaphore, #tpu.memory_space<semaphore_mem>>, %arg10: memref<!tpu.dma_semaphore, #tpu.memory_space<semaphore_mem>>, %arg11: memref<!tpu.dma_semaphore, #tpu.memory_space<semaphore_mem>>) attributes {dimension_semantics = [#tpu.dimension_semantics<core_parallel>, #tpu.dimension_semantics<subcore_parallel>], iteration_bounds = array<i64: 2, 16>, scalar_prefetch = 0 : i64, scratch_operands = 8 : i64, tpu.core_type = #tpu.core_type<sc_vector_subcore>, window_params = [{transform_indices = #map}, {transform_indices = #map}]} {
    %mul3A = arith.constant 2 : i32
    %mul3A_0 = arith.muli %arg1, %mul3A : i32
    %add3A = arith.addi %mul3A_0, %arg0 : i32
    %mul3A_1 = arith.constant 1048576 : i32
    %mul3A_2 = arith.muli %add3A, %mul3A_1 : i32
    %add3A_3 = arith.constant 0 : i32
    %add3A_4 = arith.addi %mul3A_2, %add3A_3 : i32
    %dma_start3A = tpu.memref_slice %arg2[%add3A_4] : memref<33554432xf32, #tpu.memory_space<hbm>> -> memref<16384xf32, #tpu.memory_space<hbm>>
    %dma_start3A_5 = tpu.memref_slice %arg2[%add3A_4] : memref<33554432xf32, #tpu.memory_space<hbm>> -> memref<16384xf32, #tpu.memory_space<hbm>>
    tpu.enqueue_dma source(%dma_start3A_5 : memref<16384xf32, #tpu.memory_space<hbm>>) target(%arg4 : memref<16384xf32, #tpu.memory_space<vmem>>) target_semaphore(%arg8 : memref<!tpu.dma_semaphore, #tpu.memory_space<semaphore_mem>>)
    %add3A_6 = arith.constant 16384 : i32
    %add3A_7 = arith.addi %mul3A_2, %add3A_6 : i32
    %dma_start3A_8 = tpu.memref_slice %arg2[%add3A_7] : memref<33554432xf32, #tpu.memory_space<hbm>> -> memref<16384xf32, #tpu.memory_space<hbm>>
    %dma_start3A_9 = tpu.memref_slice %arg2[%add3A_7] : memref<33554432xf32, #tpu.memory_space<hbm>> -> memref<16384xf32, #tpu.memory_space<hbm>>
    tpu.enqueue_dma source(%dma_start3A_9 : memref<16384xf32, #tpu.memory_space<hbm>>) target(%arg5 : memref<16384xf32, #tpu.memory_space<vmem>>) target_semaphore(%arg9 : memref<!tpu.dma_semaphore, #tpu.memory_space<semaphore_mem>>)
    %add3A_10 = arith.constant 0 : i32
    %add3A_11 = arith.addi %mul3A_2, %add3A_10 : i32
    %dma_wait3A = tpu.memref_slice %arg2[%add3A_11] : memref<33554432xf32, #tpu.memory_space<hbm>> -> memref<16384xf32, #tpu.memory_space<hbm>>
    %dma_wait3A_12 = tpu.memref_slice %arg2[%add3A_11] : memref<33554432xf32, #tpu.memory_space<hbm>> -> memref<16384xf32, #tpu.memory_space<hbm>>
    tpu.wait_dma2 semaphore(%arg8 : memref<!tpu.dma_semaphore, #tpu.memory_space<semaphore_mem>>) src(%dma_wait3A_12 : memref<16384xf32, #tpu.memory_space<hbm>>) dst(%arg4 : memref<16384xf32, #tpu.memory_space<vmem>>)
    %add3A_13 = arith.constant 0 : i32
    %add3A_14 = arith.addi %mul3A_2, %add3A_13 : i32
    %dma_start3A_15 = tpu.memref_slice %arg3[%add3A_14] : memref<33554432xf32, #tpu.memory_space<hbm>> -> memref<16384xf32, #tpu.memory_space<hbm>>
    %dma_start3A_16 = tpu.memref_slice %arg3[%add3A_14] : memref<33554432xf32, #tpu.memory_space<hbm>> -> memref<16384xf32, #tpu.memory_space<hbm>>
    tpu.enqueue_dma source(%arg6 : memref<16384xf32, #tpu.memory_space<vmem>>) target(%dma_start3A_16 : memref<16384xf32, #tpu.memory_space<hbm>>) target_semaphore(%arg10 : memref<!tpu.dma_semaphore, #tpu.memory_space<semaphore_mem>>)
    %add3A_17 = arith.constant 32768 : i32
    %add3A_18 = arith.addi %mul3A_2, %add3A_17 : i32
    %dma_start3A_19 = tpu.memref_slice %arg2[%add3A_18] : memref<33554432xf32, #tpu.memory_space<hbm>> -> memref<16384xf32, #tpu.memory_space<hbm>>
    %dma_start3A_20 = tpu.memref_slice %arg2[%add3A_18] : memref<33554432xf32, #tpu.memory_space<hbm>> -> memref<16384xf32, #tpu.memory_space<hbm>>
    tpu.enqueue_dma source(%dma_start3A_20 : memref<16384xf32, #tpu.memory_space<hbm>>) target(%arg4 : memref<16384xf32, #tpu.memory_space<vmem>>) target_semaphore(%arg8 : memref<!tpu.dma_semaphore, #tpu.memory_space<semaphore_mem>>)
    %add3A_21 = arith.constant 16384 : i32
    %add3A_22 = arith.addi %mul3A_2, %add3A_21 : i32
    %dma_wait3A_23 = tpu.memref_slice %arg2[%add3A_22] : memref<33554432xf32, #tpu.memory_space<hbm>> -> memref<16384xf32, #tpu.memory_space<hbm>>
    %dma_wait3A_24 = tpu.memref_slice %arg2[%add3A_22] : memref<33554432xf32, #tpu.memory_space<hbm>> -> memref<16384xf32, #tpu.memory_space<hbm>>
    tpu.wait_dma2 semaphore(%arg9 : memref<!tpu.dma_semaphore, #tpu.memory_space<semaphore_mem>>) src(%dma_wait3A_24 : memref<16384xf32, #tpu.memory_space<hbm>>) dst(%arg5 : memref<16384xf32, #tpu.memory_space<vmem>>)
    %add3A_25 = arith.constant 16384 : i32
    %add3A_26 = arith.addi %mul3A_2, %add3A_25 : i32
    %dma_start3A_27 = tpu.memref_slice %arg3[%add3A_26] : memref<33554432xf32, #tpu.memory_space<hbm>> -> memref<16384xf32, #tpu.memory_space<hbm>>
    %dma_start3A_28 = tpu.memref_slice %arg3[%add3A_26] : memref<33554432xf32, #tpu.memory_space<hbm>> -> memref<16384xf32, #tpu.memory_space<hbm>>
    tpu.enqueue_dma source(%arg7 : memref<16384xf32, #tpu.memory_space<vmem>>) target(%dma_start3A_28 : memref<16384xf32, #tpu.memory_space<hbm>>) target_semaphore(%arg11 : memref<!tpu.dma_semaphore, #tpu.memory_space<semaphore_mem>>)
    %add3A_29 = arith.constant 49152 : i32
    %add3A_30 = arith.addi %mul3A_2, %add3A_29 : i32
    %dma_start3A_31 = tpu.memref_slice %arg2[%add3A_30] : memref<33554432xf32, #tpu.memory_space<hbm>> -> memref<16384xf32, #tpu.memory_space<hbm>>
    %dma_start3A_32 = tpu.memref_slice %arg2[%add3A_30] : memref<33554432xf32, #tpu.memory_space<hbm>> -> memref<16384xf32, #tpu.memory_space<hbm>>
    tpu.enqueue_dma source(%dma_start3A_32 : memref<16384xf32, #tpu.memory_space<hbm>>) target(%arg5 : memref<16384xf32, #tpu.memory_space<vmem>>) target_semaphore(%arg9 : memref<!tpu.dma_semaphore, #tpu.memory_space<semaphore_mem>>)
    %scan3A = arith.constant 0 : i32
    %scan3A_33 = arith.constant 0 : i32
    %scan3A_34 = arith.constant 31 : i32
    %scan3A_35 = arith.addi %scan3A_33, %scan3A_34 : i32
    %scan3A_36 = arith.constant 1 : i32
    %scan3A_37 = scf.for %scan3A_47 = %scan3A_33 to %scan3A_35 step %scan3A_36 iter_args(%scan3A_48 = %scan3A) -> (i32)  : i32 {
      %mul3A_49 = arith.constant 2 : i32
      %mul3A_50 = arith.muli %scan3A_47, %mul3A_49 : i32
      %add3A_51 = arith.constant 2 : i32
      %add3A_52 = arith.addi %add3A_51, %mul3A_50 : i32
      %add3A_53 = arith.constant 0 : i32
      %add3A_54 = arith.addi %add3A_52, %add3A_53 : i32
      %mul3A_55 = arith.constant 16384 : i32
      %mul3A_56 = arith.muli %add3A_54, %mul3A_55 : i32
      %add3A_57 = arith.addi %mul3A_2, %mul3A_56 : i32
      %dma_wait3A_58 = tpu.memref_slice %arg2[%add3A_57] : memref<33554432xf32, #tpu.memory_space<hbm>> -> memref<16384xf32, #tpu.memory_space<hbm>>
      %dma_wait3A_59 = tpu.memref_slice %arg2[%add3A_57] : memref<33554432xf32, #tpu.memory_space<hbm>> -> memref<16384xf32, #tpu.memory_space<hbm>>
      tpu.wait_dma2 semaphore(%arg8 : memref<!tpu.dma_semaphore, #tpu.memory_space<semaphore_mem>>) src(%dma_wait3A_59 : memref<16384xf32, #tpu.memory_space<hbm>>) dst(%arg4 : memref<16384xf32, #tpu.memory_space<vmem>>)
      %sub3A = arith.constant 2 : i32
      %sub3A_60 = arith.subi %add3A_54, %sub3A : i32
      %mul3A_61 = arith.constant 16384 : i32
      %mul3A_62 = arith.muli %sub3A_60, %mul3A_61 : i32
      %add3A_63 = arith.addi %mul3A_2, %mul3A_62 : i32
      %dma_wait3A_64 = tpu.memref_slice %arg3[%add3A_63] : memref<33554432xf32, #tpu.memory_space<hbm>> -> memref<16384xf32, #tpu.memory_space<hbm>>
      %dma_wait3A_65 = tpu.memref_slice %arg3[%add3A_63] : memref<33554432xf32, #tpu.memory_space<hbm>> -> memref<16384xf32, #tpu.memory_space<hbm>>
      tpu.wait_dma2 semaphore(%arg10 : memref<!tpu.dma_semaphore, #tpu.memory_space<semaphore_mem>>) src(%arg6 : memref<16384xf32, #tpu.memory_space<vmem>>) dst(%dma_wait3A_65 : memref<16384xf32, #tpu.memory_space<hbm>>)
      %mul3A_66 = arith.constant 16384 : i32
      %mul3A_67 = arith.muli %add3A_54, %mul3A_66 : i32
      %add3A_68 = arith.addi %mul3A_2, %mul3A_67 : i32
      %dma_start3A_69 = tpu.memref_slice %arg3[%add3A_68] : memref<33554432xf32, #tpu.memory_space<hbm>> -> memref<16384xf32, #tpu.memory_space<hbm>>
      %dma_start3A_70 = tpu.memref_slice %arg3[%add3A_68] : memref<33554432xf32, #tpu.memory_space<hbm>> -> memref<16384xf32, #tpu.memory_space<hbm>>
      tpu.enqueue_dma source(%arg6 : memref<16384xf32, #tpu.memory_space<vmem>>) target(%dma_start3A_70 : memref<16384xf32, #tpu.memory_space<hbm>>) target_semaphore(%arg10 : memref<!tpu.dma_semaphore, #tpu.memory_space<semaphore_mem>>)
      %add3A_71 = arith.constant 2 : i32
      %add3A_72 = arith.addi %add3A_54, %add3A_71 : i32
      %lt3A = arith.constant 64 : i32
      %lt3A_73 = arith.cmpi slt, %add3A_72, %lt3A : i32
      %convert_element_type3A = arith.extui %lt3A_73 : i1 to i32
      %cond3A = arith.constant 0 : i32
      %cond3A_74 = arith.cmpi ne, %convert_element_type3A, %cond3A : i32
      scf.if %cond3A_74 {
        %add3A_102 = arith.constant 2 : i32
        %add3A_103 = arith.addi %add3A_54, %add3A_102 : i32
        %mul3A_104 = arith.constant 16384 : i32
        %mul3A_105 = arith.muli %add3A_103, %mul3A_104 : i32
        %add3A_106 = arith.addi %mul3A_2, %mul3A_105 : i32
        %dma_start3A_107 = tpu.memref_slice %arg2[%add3A_106] : memref<33554432xf32, #tpu.memory_space<hbm>> -> memref<16384xf32, #tpu.memory_space<hbm>>
        %dma_start3A_108 = tpu.memref_slice %arg2[%add3A_106] : memref<33554432xf32, #tpu.memory_space<hbm>> -> memref<16384xf32, #tpu.memory_space<hbm>>
        tpu.enqueue_dma source(%dma_start3A_108 : memref<16384xf32, #tpu.memory_space<hbm>>) target(%arg4 : memref<16384xf32, #tpu.memory_space<vmem>>) target_semaphore(%arg8 : memref<!tpu.dma_semaphore, #tpu.memory_space<semaphore_mem>>)
      } else {
      }
      %add3A_75 = arith.constant 1 : i32
      %add3A_76 = arith.addi %add3A_52, %add3A_75 : i32
      %mul3A_77 = arith.constant 16384 : i32
      %mul3A_78 = arith.muli %add3A_76, %mul3A_77 : i32
      %add3A_79 = arith.addi %mul3A_2, %mul3A_78 : i32
      %dma_wait3A_80 = tpu.memref_slice %arg2[%add3A_79] : memref<33554432xf32, #tpu.memory_space<hbm>> -> memref<16384xf32, #tpu.memory_space<hbm>>
      %dma_wait3A_81 = tpu.memref_slice %arg2[%add3A_79] : memref<33554432xf32, #tpu.memory_space<hbm>> -> memref<16384xf32, #tpu.memory_space<hbm>>
      tpu.wait_dma2 semaphore(%arg9 : memref<!tpu.dma_semaphore, #tpu.memory_space<semaphore_mem>>) src(%dma_wait3A_81 : memref<16384xf32, #tpu.memory_space<hbm>>) dst(%arg5 : memref<16384xf32, #tpu.memory_space<vmem>>)
      %sub3A_82 = arith.constant 2 : i32
      %sub3A_83 = arith.subi %add3A_76, %sub3A_82 : i32
      %mul3A_84 = arith.constant 16384 : i32
      %mul3A_85 = arith.muli %sub3A_83, %mul3A_84 : i32
      %add3A_86 = arith.addi %mul3A_2, %mul3A_85 : i32
      %dma_wait3A_87 = tpu.memref_slice %arg3[%add3A_86] : memref<33554432xf32, #tpu.memory_space<hbm>> -> memref<16384xf32, #tpu.memory_space<hbm>>
      %dma_wait3A_88 = tpu.memref_slice %arg3[%add3A_86] : memref<33554432xf32, #tpu.memory_space<hbm>> -> memref<16384xf32, #tpu.memory_space<hbm>>
      tpu.wait_dma2 semaphore(%arg11 : memref<!tpu.dma_semaphore, #tpu.memory_space<semaphore_mem>>) src(%arg7 : memref<16384xf32, #tpu.memory_space<vmem>>) dst(%dma_wait3A_88 : memref<16384xf32, #tpu.memory_space<hbm>>)
      %mul3A_89 = arith.constant 16384 : i32
      %mul3A_90 = arith.muli %add3A_76, %mul3A_89 : i32
      %add3A_91 = arith.addi %mul3A_2, %mul3A_90 : i32
      %dma_start3A_92 = tpu.memref_slice %arg3[%add3A_91] : memref<33554432xf32, #tpu.memory_space<hbm>> -> memref<16384xf32, #tpu.memory_space<hbm>>
      %dma_start3A_93 = tpu.memref_slice %arg3[%add3A_91] : memref<33554432xf32, #tpu.memory_space<hbm>> -> memref<16384xf32, #tpu.memory_space<hbm>>
      tpu.enqueue_dma source(%arg7 : memref<16384xf32, #tpu.memory_space<vmem>>) target(%dma_start3A_93 : memref<16384xf32, #tpu.memory_space<hbm>>) target_semaphore(%arg11 : memref<!tpu.dma_semaphore, #tpu.memory_space<semaphore_mem>>)
      %add3A_94 = arith.constant 2 : i32
      %add3A_95 = arith.addi %add3A_76, %add3A_94 : i32
      %lt3A_96 = arith.constant 64 : i32
      %lt3A_97 = arith.cmpi slt, %add3A_95, %lt3A_96 : i32
      %convert_element_type3A_98 = arith.extui %lt3A_97 : i1 to i32
      %cond3A_99 = arith.constant 0 : i32
      %cond3A_100 = arith.cmpi ne, %convert_element_type3A_98, %cond3A_99 : i32
      scf.if %cond3A_100 {
        %add3A_102 = arith.constant 2 : i32
        %add3A_103 = arith.addi %add3A_76, %add3A_102 : i32
        %mul3A_104 = arith.constant 16384 : i32
        %mul3A_105 = arith.muli %add3A_103, %mul3A_104 : i32
        %add3A_106 = arith.addi %mul3A_2, %mul3A_105 : i32
        %dma_start3A_107 = tpu.memref_slice %arg2[%add3A_106] : memref<33554432xf32, #tpu.memory_space<hbm>> -> memref<16384xf32, #tpu.memory_space<hbm>>
        %dma_start3A_108 = tpu.memref_slice %arg2[%add3A_106] : memref<33554432xf32, #tpu.memory_space<hbm>> -> memref<16384xf32, #tpu.memory_space<hbm>>
        tpu.enqueue_dma source(%dma_start3A_108 : memref<16384xf32, #tpu.memory_space<hbm>>) target(%arg5 : memref<16384xf32, #tpu.memory_space<vmem>>) target_semaphore(%arg9 : memref<!tpu.dma_semaphore, #tpu.memory_space<semaphore_mem>>)
      } else {
      }
      %scan3A_101 = arith.constant 0 : i32
      scf.yield %scan3A_101 : i32
    }
    %scan3A_38 = arith.constant 31 : i32
    %add3A_39 = arith.constant 1015808 : i32
    %add3A_40 = arith.addi %mul3A_2, %add3A_39 : i32
    %dma_wait3A_41 = tpu.memref_slice %arg3[%add3A_40] : memref<33554432xf32, #tpu.memory_space<hbm>> -> memref<16384xf32, #tpu.memory_space<hbm>>
    %dma_wait3A_42 = tpu.memref_slice %arg3[%add3A_40] : memref<33554432xf32, #tpu.memory_space<hbm>> -> memref<16384xf32, #tpu.memory_space<hbm>>
    tpu.wait_dma2 semaphore(%arg10 : memref<!tpu.dma_semaphore, #tpu.memory_space<semaphore_mem>>) src(%arg6 : memref<16384xf32, #tpu.memory_space<vmem>>) dst(%dma_wait3A_42 : memref<16384xf32, #tpu.memory_space<hbm>>)
    %add3A_43 = arith.constant 1032192 : i32
    %add3A_44 = arith.addi %mul3A_2, %add3A_43 : i32
    %dma_wait3A_45 = tpu.memref_slice %arg3[%add3A_44] : memref<33554432xf32, #tpu.memory_space<hbm>> -> memref<16384xf32, #tpu.memory_space<hbm>>
    %dma_wait3A_46 = tpu.memref_slice %arg3[%add3A_44] : memref<33554432xf32, #tpu.memory_space<hbm>> -> memref<16384xf32, #tpu.memory_space<hbm>>
    tpu.wait_dma2 semaphore(%arg11 : memref<!tpu.dma_semaphore, #tpu.memory_space<semaphore_mem>>) src(%arg7 : memref<16384xf32, #tpu.memory_space<vmem>>) dst(%dma_wait3A_46 : memref<16384xf32, #tpu.memory_space<hbm>>)
    return
  }
}

</mosaic_0001>

<sc_bundles>
// kernel: kernel.3.cloned.1.call-start
scs
__scs_entry_jumppad:
0x0: {  	(pc) =	sbr.rel $0x88, $3  }
0x1: {  	(tag) =	ssettag $0x0;
	lr =	simm.s32 $0x1  }
0x2: {  	[smem:$0x3FA0] =	sst lr;
	_ =	strace $0xD0000000  }
0x3: {  	_ = 	snop  }
0x4: {  	_ = 	snop  }
0x5: {  	_ = 	snop  }
0x6: {  	_ = 	snop  }
0x7: {  	_ = 	snop  }
__scs_overlays_trampoline_lowered:
0x8: {  	[smem:$0x3FAF] =	sst s0  }
0x9: {  	[smem:$0x3FB0] =	sst s1  }
0xa: {  	[smem:$0x3FB1] =	sst s2  }
0xb: {  	[smem:$0x3FB2] =	sst s3  }
0xc: {  	[smem:$0x3FB3] =	sst s4  }
0xd: {  	[smem:$0x3FB4] =	sst s5  }
0xe: {  	[smem:$0x3FB5] =	sst s6  }
0xf: {  	[smem:$0x3FB6] =	sst s7  }
0x10: {  	[smem:$0x3FB7] =	sst s8  }
0x11: {  	[smem:$0x3FB8] =	sst s9;
	s0 =	simm.s32 @!p0 $0x0  }
0x12: {  	s1 =	sld [smem:$0x3F9E];
	s0 =	simm.s32 @p0 $0x1  }
0x13: {  	[smem:$0x3FB9] =	sst s0;
	s0 =	simm.s32 @!p1 $0x0  }
0x14: {  	s2 =	sld [smem:$0x3F9D];
	s0 =	simm.s32 @p1 $0x1  }
0x15: {  	[smem:$0x3FBA] =	sst s0;
	s0 =	simm.s32 @!p2 $0x0  }
0x16: {  	s3 =	sld [smem:$0x3FDB];
	s0 =	simm.s32 @p2 $0x1  }
0x17: {  	s4 =	simm.s32 $0x1BF5;
	[smem:$0x3FBC] =	sst s0  }
0x18: {  	s0 =	sld [smem:$0x3F9F];
	_ =	swait.ge [sflag:s4], $0x0  }
0x19: {  	s7 =	sld [smem:$0x3FA0]  }
0x1a: {  	s8 =	sadd.s32 $0xFFFFE003, lr  }
0x1b: {  	s9 =	sadd.s32 $0xFFFFFEF7, lr;
	s5 =	simm.s32 $0xFFFFFFFF;
	p2 =	slt.u32 s8, $0xFFFFF086  }
0x1c: {  	p1 =	slt.u32 s9, $0xF7A;
	s5 =	simm.s32 @!p2 $0x0  }
0x1d: {  	s5 =	simm.s32 @p1 $0x1;
	p0 =	seq.s32 s7, s2  }
0x1e: {  	s7 =	smul.u32 @!p0 $0xF7A, s2;
	p2 =	seq.s32 @!p0 s5, $0x0  }
0x1f: {  	s9 =	smul.u32 $0xF7A, s1;
	s8 =	simm.s32 @!p0 $0x1BF5;
	p2 =	por !p2, p0  }
0x20: {  	[sflag:s8] =	ssyncset.s32 @!p0 $0xFFFFF086;
	s6 =	sadd.s32 @!p0 s3, s7;
	s7 =	simm.s32 @!p0 $0x108  }
0x21: {  	s3 =	sadd.s32 s3, s9;
	s6 =	sadd.s32 @!p0 $0x88, s6;
	s7 =	simm.s32 @p2 $0x1082  }
0x22: {  	[simem:s7], [sflag:s8] =	dma.local @!p0 [hbm:s6], $0xF7A  }
0x23: {  	s9 =	sor.u32 $0xD0000000, s2;
	s6 =	simm.s32 $0x108;
	_ =	swait.ge @!p0 [sflag:s8], $0x0  }
0x24: {  	s3 =	sadd.s32 $0x88, s3;
	s6 =	simm.s32 @!p1 $0x1082;
	[sflag:s4] =	ssyncset.s32 $0xFFFFF086  }
0x25: {  	[simem:s6], [sflag:s4] =	dma.local [hbm:s3], $0xF7A  }
0x26: {  	[smem:$0x3FA0] =	sst s1;
	(tag) =	ssettag s2;
	_ =	strace s9  }
0x27: {  	s1 =	sld [smem:$0x3FB0]  }
0x28: {  	s2 =	sld [smem:$0x3FB1]  }
0x29: {  	s4 =	sld [smem:$0x3FB3]  }
0x2a: {  	p0 =	seq.s32 s5, $0x0;
	s5 =	sld [smem:$0x3FB4]  }
0x2b: {  	s6 =	sld [smem:$0x3FB5]  }
0x2c: {  	s7 =	sld [smem:$0x3FB6]  }
0x2d: {  	s3 =	simm.s32 $0x108;
	s8 =	sld [smem:$0x3FB7]  }
0x2e: {  	s3 =	simm.s32 @!p0 $0x1082;
	s9 =	sld [smem:$0x3FB8]  }
0x2f: {  	lr =	sadd.s32 s0, s3;
	s0 =	sld [smem:$0x3FAF]  }
0x30: {  	s3 =	sld [smem:$0x3FB2]  }
0x31: {  	[smem:$0x3FBB] =	sst s10  }
0x32: {  	s10 =	sld [smem:$0x3FB9];
	_ =	sdelay $0x3  }
0x33: {  	p0 =	seq.s32 s10, $0x1;
	s10 =	sld [smem:$0x3FBB];
	_ =	sdelay $0x3  }
0x34: {  	[smem:$0x3FBB] =	sst s10  }
0x35: {  	s10 =	sld [smem:$0x3FBA];
	_ =	sdelay $0x3  }
0x36: {  	p1 =	seq.s32 s10, $0x1;
	s10 =	sld [smem:$0x3FBB];
	_ =	sdelay $0x3  }
0x37: {  	[smem:$0x3FBB] =	sst s10  }
0x38: {  	s10 =	sld [smem:$0x3FBC]  }
0x39: {  	_ = 	snop;
	(pc) =	sbr.ind lr, $3  }
0x3a: {  	_ = 	snop  }
0x3b: {  	_ = 	snop  }
0x3c: {  	p2 =	seq.s32 s10, $0x1;
	s10 =	sld [smem:$0x3FBB]  }
0x3d: {  	_ =	shalt  }
0x3e: {  	_ =	shalt  }
0x3f: {  	_ =	shalt  }
0x40: {  	_ =	shalt  }
0x41: {  	_ =	shalt  }
0x42: {  	_ =	shalt  }
0x43: {  	_ =	shalt  }
0x44: {  	_ =	shalt  }
0x45: {  	_ =	shalt  }
0x46: {  	_ =	shalt  }
0x47: {  	_ =	shalt  }
0x48: {  	_ =	shalt  }
0x49: {  	_ =	shalt  }
0x4a: {  	_ =	shalt  }
0x4b: {  	_ =	shalt  }
0x4c: {  	_ =	shalt  }
0x4d: {  	_ =	shalt  }
0x4e: {  	_ =	shalt  }
0x4f: {  	_ =	shalt  }
0x50: {  	_ =	shalt  }
0x51: {  	_ =	shalt  }
0x52: {  	_ =	shalt  }
0x53: {  	_ =	shalt  }
0x54: {  	_ =	shalt  }
0x55: {  	_ =	shalt  }
0x56: {  	_ =	shalt  }
0x57: {  	_ =	shalt  }
0x58: {  	_ =	shalt  }
0x59: {  	_ =	shalt  }
0x5a: {  	_ =	shalt  }
0x5b: {  	_ =	shalt  }
0x5c: {  	_ =	shalt  }
0x5d: {  	_ =	shalt  }
0x5e: {  	_ =	shalt  }
0x5f: {  	_ =	shalt  }
0x60: {  	_ =	shalt  }
0x61: {  	_ =	shalt  }
0x62: {  	_ =	shalt  }
0x63: {  	_ =	shalt  }
0x64: {  	_ =	shalt  }
0x65: {  	_ =	shalt  }
0x66: {  	_ =	shalt  }
0x67: {  	_ =	shalt  }
0x68: {  	_ =	shalt  }
0x69: {  	_ =	shalt  }
0x6a: {  	_ =	shalt  }
0x6b: {  	_ =	shalt  }
0x6c: {  	_ =	shalt  }
0x6d: {  	_ =	shalt  }
0x6e: {  	_ =	shalt  }
0x6f: {  	_ =	shalt  }
0x70: {  	_ =	shalt  }
0x71: {  	_ =	shalt  }
0x72: {  	_ =	shalt  }
0x73: {  	_ =	shalt  }
0x74: {  	_ =	shalt  }
0x75: {  	_ =	shalt  }
0x76: {  	_ =	shalt  }
0x77: {  	_ =	shalt  }
0x78: {  	_ =	shalt  }
0x79: {  	_ =	shalt  }
0x7a: {  	_ =	shalt  }
0x7b: {  	_ =	shalt  }
0x7c: {  	_ =	shalt  }
0x7d: {  	_ =	shalt  }
0x7e: {  	_ =	shalt  }
0x7f: {  	_ =	shalt  }
0x80: {  	_ =	shalt  }
0x81: {  	_ =	shalt  }
0x82: {  	_ =	shalt  }
0x83: {  	_ =	shalt  }
0x84: {  	_ =	shalt  }
0x85: {  	_ =	shalt  }
0x86: {  	_ =	shalt  }
0x87: {  	_ =	shalt  }
.Lfunc_end0:
.L_simem_size_0:
called_computation.1_lowered:
.L_overlay_start_0:
0x88: {  	s2 =	sld [smem:$0x3FD9]  }
0x89: {  	s3 =	sld [smem:$0x3FFE];
	_ =	sdelay $0x1  }
0x8a: {  	s1 =	srdreg.scid  }
0x8b: {  	s0 =	sand.u32 $0x1, s1  }
0x8c: {  	s17 =	sshll.u32 s0, $0xA;
	s2 =	sadd.s32 s3, s2  }
0x8d: {  	s2 =	sadd.s32 s2, s17  }
0x8e: {  	[smem:$0x3FC7] =	sst s2  }
0x8f: {  	_ = 	snop  }
0x90: {  	s2 =	sld [smem:$0x3FD0];
	(tm) =	ssettm $0x1  }
0x91: {  	s18 =	sld [smem:$0x3FFB];
	_ =	sdelay $0x3  }
0x92: {  	_ =	strace s18  }
0x93: {  	s3 =	sld [smem:$0x3FFC];
	_ =	sdelay $0x3  }
0x94: {  	_ =	strace s3  }
0x95: {  	s3 =	sld [smem:$0x3FFD];
	_ =	sdelay $0x3  }
0x96: {  	_ =	strace s3  }
0x97: {  	_ =	strace $0x8FFFFFFF  }
0x98: {  	s19 =	sld [smem:$0x3FDB];
	_ =	sdelay $0x1  }
0x99: {  	s4 =	simm.s32 $_scs_section_size  }
0x9a: {  	s5 =	simm.s32 $_size__tile_overlayer_lowered;
	s6 =	simm.s32 $_tile_overlayer_lowered  }
0x9b: {  	s22 =	simm.s32 $0x1BFF;
	s21 =	sshll.u32 s6, $0x1;
	s3 =	sadd.s32 s4, s19  }
0x9c: {  	s7 =	simm.s32 $0x0;
	s20 =	sshll.u32 s5, $0x1;
	s5 =	sadd.s32 s21, s3  }
0x9d: {  	[timem:s7], [sflag:s22] =	dma.local [hbm:s5], s20  }
0x9e: {  	_ =	swait.ge [sflag:s22], s20  }
0x9f: {  	s4 =	ssub.s32 $0x0, s20;
	[sflag:s22] =	ssyncset.done $0x0  }
0xa0: {  	[sflag:s22] =	ssyncadd.s32 s4;
	_ =	sdelay $0x1  }
0xa1: {  	s23 =	simm.s32 $0x1B8B  }
0xa2: {  	_ =	swait.ge [sflag:s23], $0x1  }
0xa3: {  	[sflag:s23] =	ssyncset.done $0x0  }
0xa4: {  	s25 =	simm.s32 $0x1B8E;
	s24 =	sld [smem:$0x3FFE];
	[sflag:s23] =	ssyncadd.s32 $0xFFFFFFFF  }
0xa5: {  	s26 =	simm.s32 $execute0_lowered;
	[smem:$0x3FD2] =	sst s25  }
0xa6: {  	s5 =	sshll.u32 s26, $0x1;
	_ =	strace $0x80000049;
	[dreg:$0x1] =	wrdreg $0xFFFFFFFF  }
0xa7: {  	s28 =	simm.s32 $_size_execute0_lowered;
	s3 =	sadd.s32 s3, s5;
	[dreg:$0x0] =	wrdreg $0x0  }
0xa8: {  	s5 =	sshll.u32 s28, $0x1;
	[dreg:$0x2] =	wrdreg s3  }
0xa9: {  	[dreg:$0x3] =	wrdreg s5  }
0xaa: {  	[dreg:$0x4] =	wrdreg $0xC0  }
0xab: {  	_ =	task [dreg:s7], $0x5FFFF  }
0xac: {  	[dreg:$0x1] =	wrdreg $0xFFFFFFFF  }
0xad: {  	[dreg:$0x0] =	wrdreg $0x60  }
0xae: {  	[dreg:$0x2] =	wrdreg s2  }
0xaf: {  	[dreg:$0x3] =	wrdreg s24  }
0xb0: {  	[dreg:$0x4] =	wrdreg $0x9  }
0xb1: {  	_ =	task.clear_ibuf [dreg:s7], $0x5FFFF;
	_ =	strace $0x90000049  }
0xb2: {  	s29 =	simm.s32 $0x9;
	_ =	strace $0x8000004B  }
0xb3: {  	_ =	swait.ge [sflag:s29], $0x1  }
0xb4: {  	[sflag:s29] =	ssyncadd.s32 $0xFFFFFFFF  }
0xb5: {  	_ =	strace $0x9000004B  }
0xb6: {  	_ =	sfence  }
0xb7: {  	s30 =	sld [smem:$0x0];
	_ =	sdelay $0x2  }
0xb8: {  	s31 =	sshll.u32 s1, $0xD;
	s1 =	sshrl.u32 s1, $0x2  }
0xb9: {  	s3 =	sand.u32 $0x4000, s31;
	s1 =	sadd.s32 s1, s30  }
0xba: {  	s0 =	sor.u32 s3, s0;
	s1 =	sshll.u32 s1, $0x11  }
0xbb: {  	s0 =	sor.u32 s1, s0  }
0xbc: {  	s0 =	sadd.s32 $0x8F2B, s0  }
0xbd: {  	[sflag:s0] =	ssyncadd.remote.s32 $0x1  }
0xbe: {  	_ =	sfence.sel $0xFFFF  }
0xbf: {  	[dreg:$0x0] =	wrdreg $0xFFFFFFFF;
	(pc) =	sbr.abs _section_cstart, $3  }
0xc0: {  	[dreg:$0x1] =	wrdreg $0xFFFFFFFF  }
0xc1: {  	_ =	task.clear_ibuf [dreg:s7], $0x2FFFF;
	_ =	strace $0x9FFFFFFF  }
0xc2: {  	(tm) =	ssettm $0x7FFFFFFF  }
0xc3: {  	_ =	shalt  }
tec
execute0_lowered:
.L_overlay_start_1:
0x0: {  	(tag) =	ssettag $0x1  }
0x1: {  	s14 =	rddreg [dreg:$0x0]  }
0x2: {  	s3 =	rddreg [dreg:$0x1];
	s2 =	srdreg.scid  }
0x3: {  	s0 =	rddreg [dreg:$0x2];
	s1 =	stileid.u32  }
0x4: {  	s19 =	simm.s32 $0x2;
	s20 =	simm.s32 $0xC000;
	s21 =	simm.s32 $0x3  }
0x5: {  	s22 =	simm.s32 $0x4;
	s23 =	simm.s32 $0x0;
	s4 =	sand.u32 $0x1, s2  }
0x6: {  	s2 =	simm.s32 $0x0;
	s5 =	sshll.u32 s1, $0x15;
	s15 =	sadd.s32 $0x800, s3  }
0x7: {  	s6 =	sshll.u32 s4, $0x14;
	[smem:$0x7FF] =	sst s2;
	s4 =	ssub.s32 $0x2, s4  }
0x8: {  	s13 =	sor.u32 s6, s5;
	_ =	strace $0x8000004A;
	s30 =	sshrl.u32 s4, $0x1  }
0x9: {  	s5 =	sshrl.u32 s13, $0x3;
	s9 =	ssub.s32 s4, s30;
	s12 =	sor.u32 $0x14000, s13  }
0xa: {  	s16 =	sor.u32 $0xC000, s13;
	s17 =	sor.u32 $0x10000, s13;
	s18 =	sor.u32 $0x8000, s13  }
0xb: {  	s7 =	sor.u32 $0x800, s5;
	s3 =	sadd.s32 s14, s5;
	s5 =	sadd.s32 s15, s5  }
0xc: {  	s9 =	smax.u32 s9, $0x1;
	s12 =	sshrl.u32 s12, $0x3;
	s16 =	sshrl.u32 s16, $0x3  }
0xd: {  	s17 =	sshrl.u32 s17, $0x3;
	s31 =	sshrl.u32 s18, $0x3;
	s18 =	simm.s32 $0x8000  }
0xe: {  	s4 =	sadd.s32 s14, s7;
	s6 =	sadd.s32 $0x1000, s3;
	s7 =	sadd.s32 s15, s7  }
0xf: {  	s8 =	sadd.s32 $0x1800, s3;
	s10 =	sadd.s32 $0x1F000, s5;
	s11 =	sadd.s32 $0x1F800, s5  }
0x10: {  	s12 =	sadd.s32 s12, s14;
	s13 =	sadd.s32 s16, s15;
	s14 =	sadd.s32 s17, s14  }
0x11: {  	s15 =	sadd.s32 s31, s15;
	s16 =	simm.s32 $0x4000;
	s17 =	simm.s32 $0x1  }
.LBB2_1:
0x12: {  	[tilespmem:s2], [sflag:$0x1] =	stream.linear.gather [hbm4b:s3+s2], $0x4000, $0x38;
	[tilespmem:$0x10000] =	vst v63  }
0x13: {  	_ = 	snop  }
0x14: {  	[tilespmem:s16], [sflag:$0x2] =	stream.linear.gather [hbm4b:s4+s2], $0x4000, $0x38;
	[tilespmem:$0x10000] =	vst v63  }
0x15: {  	_ =	swait.ge [sflag:s17], $0x4000  }
0x16: {  	[sflag:s17] =	ssyncset.done $0x0  }
0x17: {  	[sflag:s17] =	ssyncadd.s32 $0xFFFFC000  }
0x18: {  	[hbm4b:s5+s2] =	stream.linear.scatter [tilespmem:s18], [sflag:$0x3], $0x4000, $0x38;
	[tilespmem:$0x10000] =	vst v63  }
0x19: {  	_ = 	snop  }
0x1a: {  	[tilespmem:s2], [sflag:$0x1] =	stream.linear.gather [hbm4b:s6+s2], $0x4000, $0x38;
	[tilespmem:$0x10000] =	vst v63  }
0x1b: {  	_ =	swait.ge [sflag:s19], $0x4000  }
0x1c: {  	[sflag:s19] =	ssyncset.done $0x0  }
0x1d: {  	[sflag:s19] =	ssyncadd.s32 $0xFFFFC000  }
0x1e: {  	[hbm4b:s7+s2] =	stream.linear.scatter [tilespmem:s20], [sflag:$0x4], $0x4000, $0x38;
	[tilespmem:$0x10000] =	vst v63  }
0x1f: {  	_ = 	snop  }
0x20: {  	[tilespmem:s16], [sflag:$0x2] =	stream.linear.gather [hbm4b:s8+s2], $0x4000, $0x38;
	[tilespmem:$0x10000] =	vst v63  }
0x21: {  	_ =	swait.ge [sflag:s17], $0x4000  }
0x22: {  	[sflag:s17] =	ssyncset.done $0x0  }
0x23: {  	[sflag:s17] =	ssyncadd.s32 $0xFFFFC000  }
0x24: {  	_ =	swait.ge [sflag:s21], $0x4000  }
0x25: {  	[sflag:s21] =	ssyncset.done $0x0  }
0x26: {  	s24 =	sadd.s32 $0x0, s15;
	[sflag:s21] =	ssyncadd.s32 $0xFFFFC000  }
0x27: {  	[hbm4b:s24+s2] =	stream.linear.scatter [tilespmem:s18], [sflag:$0x3], $0x4000, $0x38;
	[tilespmem:$0x10000] =	vst v63  }
0x28: {  	s30 =	sadd.s32 $0x0, s14  }
0x29: {  	[tilespmem:s2], [sflag:$0x1] =	stream.linear.gather [hbm4b:s30+s2], $0x4000, $0x38;
	[tilespmem:$0x10000] =	vst v63  }
0x2a: {  	_ =	swait.ge [sflag:s19], $0x4000  }
0x2b: {  	[sflag:s19] =	ssyncset.done $0x0  }
0x2c: {  	[sflag:s19] =	ssyncadd.s32 $0xFFFFC000  }
0x2d: {  	_ =	swait.ge [sflag:s22], $0x4000  }
0x2e: {  	s31 =	sadd.s32 $0x0, s13;
	[sflag:s22] =	ssyncset.done $0x0  }
0x2f: {  	s25 =	sadd.s32 $0x0, s12;
	s24 =	simm.s32 $0x1000;
	[sflag:s22] =	ssyncadd.s32 $0xFFFFC000  }
0x30: {  	[hbm4b:s31+s2] =	stream.linear.scatter [tilespmem:s20], [sflag:$0x4], $0x4000, $0x38;
	[tilespmem:$0x10000] =	vst v63  }
.LBB2_2:
0x31: {  	[tilespmem:s16], [sflag:$0x2] =	stream.linear.gather [hbm4b:s25+s2], $0x4000, $0x38;
	[tilespmem:$0x10000] =	vst v63  }
0x32: {  	s25 =	smov.u32 s24  }
0x33: {  	p0 =	sne.s32 s24, $0x1D000;
	s24 =	sadd.s32 $0x1000, s24;
	_ =	swait.ge [sflag:s17], $0x4000  }
0x34: {  	[sflag:s17] =	ssyncset.done $0x0  }
0x35: {  	[sflag:s17] =	ssyncadd.s32 $0xFFFFC000  }
0x36: {  	_ =	swait.ge [sflag:s21], $0x4000  }
0x37: {  	[sflag:s21] =	ssyncset.done $0x0  }
0x38: {  	s26 =	sadd.s32 s25, s15;
	[sflag:s21] =	ssyncadd.s32 $0xFFFFC000  }
0x39: {  	[hbm4b:s26+s2] =	stream.linear.scatter [tilespmem:s18], [sflag:$0x3], $0x4000, $0x38;
	[tilespmem:$0x10000] =	vst v63  }
0x3a: {  	s26 =	sadd.s32 s25, s14  }
0x3b: {  	[tilespmem:s2], [sflag:$0x1] =	stream.linear.gather [hbm4b:s26+s2], $0x4000, $0x38;
	[tilespmem:$0x10000] =	vst v63  }
0x3c: {  	_ =	swait.ge [sflag:s19], $0x4000  }
0x3d: {  	[sflag:s19] =	ssyncset.done $0x0  }
0x3e: {  	[sflag:s19] =	ssyncadd.s32 $0xFFFFC000  }
.Ltmp0:
0x3f: {  	_ =	swait.ge [sflag:s22], $0x4000;
	(pc) =	sbr.rel @p0 .LBB2_2-.Ltmp0, $4  }
0x40: {  	[sflag:s22] =	ssyncset.done $0x0  }
0x41: {  	s26 =	sadd.s32 s25, s13;
	[sflag:s22] =	ssyncadd.s32 $0xFFFFC000  }
0x42: {  	[hbm4b:s26+s2] =	stream.linear.scatter [tilespmem:s20], [sflag:$0x4], $0x4000, $0x38;
	[tilespmem:$0x10000] =	vst v63  }
0x43: {  	s25 =	sadd.s32 s25, s12  }
0x44: {  	[tilespmem:s16], [sflag:$0x2] =	stream.linear.gather [hbm4b:s25+s2], $0x4000, $0x38;
	[tilespmem:$0x10000] =	vst v63  }
0x45: {  	_ =	swait.ge [sflag:s17], $0x4000  }
0x46: {  	[sflag:s17] =	ssyncset.done $0x0  }
0x47: {  	[sflag:s17] =	ssyncadd.s32 $0xFFFFC000  }
0x48: {  	_ =	swait.ge [sflag:s21], $0x4000  }
0x49: {  	[sflag:s21] =	ssyncset.done $0x0  }
0x4a: {  	[sflag:s21] =	ssyncadd.s32 $0xFFFFC000  }
0x4b: {  	[hbm4b:s10+s2] =	stream.linear.scatter [tilespmem:s18], [sflag:$0x3], $0x4000, $0x38;
	[tilespmem:$0x10000] =	vst v63  }
0x4c: {  	_ =	swait.ge [sflag:s19], $0x4000  }
0x4d: {  	[sflag:s19] =	ssyncset.done $0x0  }
0x4e: {  	[sflag:s19] =	ssyncadd.s32 $0xFFFFC000  }
0x4f: {  	_ =	swait.ge [sflag:s22], $0x4000  }
0x50: {  	[sflag:s22] =	ssyncset.done $0x0  }
0x51: {  	s23 =	sadd.s32 $0x1, s23;
	[sflag:s22] =	ssyncadd.s32 $0xFFFFC000  }
0x52: {  	[hbm4b:s11+s2] =	stream.linear.scatter [tilespmem:s20], [sflag:$0x4], $0x4000, $0x38;
	[tilespmem:$0x10000] =	vst v63  }
0x53: {  	p0 =	sne.s32 s23, s9;
	_ =	swait.ge [sflag:s21], $0x4000  }
.Ltmp1:
0x54: {  	[sflag:s21] =	ssyncset.done $0x0;
	(pc) =	sbr.rel @p0 .LBB2_1-.Ltmp1, $4  }
0x55: {  	[sflag:s21] =	ssyncadd.s32 $0xFFFFC000  }
0x56: {  	_ =	swait.ge [sflag:s22], $0x4000  }
0x57: {  	[sflag:s22] =	ssyncset.done $0x0  }
0x58: {  	[sflag:s22] =	ssyncadd.s32 $0xFFFFC000  }
0x59: {  	_ =	sfence.sel $0x180000  }
0x5a: {  	[bflag:$0x0] =	sbarrier.arrive $0xFFFF  }
0x5b: {  	p0 =	sne.s32 s1, $0x0;
	_ =	strace $0x9000004A  }
0x5c: {  	s0 =	sadd.s32 @!p0 $0x100000, s0;
	[bflag:$0x2] =	sbarrier.arrive $0xFFFF  }
0x5d: {  	[sflag:s0] =	ssyncadd.tile.s32 @!p0 $0x1;
	_ =	shalt  }
.Lfunc_end2:
_tile_overlayer_lowered:
.L_overlay_start_2:
0x5e: {  	(tag) =	ssettag $0x2  }
0x5f: {  	s0 =	rddreg [dreg:$0x0];
	s2 =	stileid.u32  }
0x60: {  	s1 =	rddreg [dreg:$0x1];
	p0 =	sne.s32 s2, $0x0  }
0x61: {  	s3 =	rddreg [dreg:$0x2];
	[bflag:$0x3] =	sbarrier.arrive $0xFFFF;
	s2 =	simm.s32 @!p0 $0x1C05  }
0x62: {  	[timem:s3], [sflag:s2] =	dma.local @!p0 [hbm:s0], s1  }
0x63: {  	s0 =	simm.s32 @!p0 $0x5  }
0x64: {  	_ =	swait.ge @!p0 [sflag:s0], s1  }
0x65: {  	s1 =	ssub.s32 @!p0 $0x0, s1;
	[sflag:s0] =	ssyncset.done @!p0 $0x0  }
0x66: {  	[sflag:s0] =	ssyncadd.s32 @!p0 s1  }
0x67: {  	[bflag:$0x3] =	sbarrier.arrive $0xFFFF  }
0x68: {  	_ =	shalt  }

// kernel: sparse-core-data-format-call.cloned.1.call-start
scs
called_computation_lowered:
.L_overlay_start_0:
0x0: {  	s2 =	sld [smem:$0x3FD9]  }
0x1: {  	s3 =	sld [smem:$0x3FFE];
	_ =	sdelay $0x1  }
0x2: {  	s1 =	srdreg.scid  }
0x3: {  	s0 =	sand.u32 $0x1, s1  }
0x4: {  	s19 =	sshll.u32 s0, $0xA;
	s2 =	sadd.s32 s3, s2  }
0x5: {  	s2 =	sadd.s32 s2, s19  }
0x6: {  	[smem:$0x3FC7] =	sst s2  }
0x7: {  	_ = 	snop  }
0x8: {  	s2 =	sld [smem:$0x3FC9]  }
0x9: {  	s20 =	sld [smem:$0x3FD0];
	(tm) =	ssettm $0x1  }
0xa: {  	s4 =	sld [smem:$0x3FFB];
	_ =	sdelay $0x3  }
0xb: {  	_ =	strace s4  }
0xc: {  	s4 =	sld [smem:$0x3FFC];
	_ =	sdelay $0x3  }
0xd: {  	_ =	strace s4  }
0xe: {  	s4 =	sld [smem:$0x3FFD];
	_ =	sdelay $0x3  }
0xf: {  	_ =	strace s4  }
0x10: {  	_ =	strace $0x8FFFFFFF  }
0x11: {  	s21 =	sld [smem:$0x3FDB];
	_ =	sdelay $0x1  }
0x12: {  	s5 =	simm.s32 $_scs_section_size  }
0x13: {  	s6 =	simm.s32 $_size__tile_overlayer_lowered;
	s7 =	simm.s32 $_tile_overlayer_lowered  }
0x14: {  	s24 =	simm.s32 $0x1BFF;
	s23 =	sshll.u32 s7, $0x1;
	s4 =	sadd.s32 s5, s21  }
0x15: {  	s8 =	simm.s32 $0x0;
	s22 =	sshll.u32 s6, $0x1;
	s6 =	sadd.s32 s23, s4  }
0x16: {  	[timem:s8], [sflag:s24] =	dma.local [hbm:s6], s22  }
0x17: {  	_ =	swait.ge [sflag:s24], s22  }
0x18: {  	s5 =	ssub.s32 $0x0, s22;
	[sflag:s24] =	ssyncset.done $0x0  }
0x19: {  	[sflag:s24] =	ssyncadd.s32 s5;
	_ =	sdelay $0x1  }
0x1a: {  	s25 =	simm.s32 $0x1B8B  }
0x1b: {  	_ =	swait.ge [sflag:s25], $0x1  }
0x1c: {  	[sflag:s25] =	ssyncset.done $0x0  }
0x1d: {  	s26 =	simm.s32 $0x1B8E;
	[sflag:s25] =	ssyncadd.s32 $0xFFFFFFFF  }
0x1e: {  	s27 =	simm.s32 $execute0_lowered;
	[smem:$0x3FD2] =	sst s26  }
0x1f: {  	s5 =	sshll.u32 s27, $0x1;
	_ =	strace $0x80000046;
	[dreg:$0x1] =	wrdreg $0xFFFFFFFF  }
0x20: {  	s28 =	simm.s32 $_size_execute0_lowered;
	s4 =	sadd.s32 s4, s5;
	[dreg:$0x0] =	wrdreg $0x0  }
0x21: {  	s5 =	sshll.u32 s28, $0x1;
	[dreg:$0x2] =	wrdreg s4  }
0x22: {  	[dreg:$0x3] =	wrdreg s5  }
0x23: {  	[dreg:$0x4] =	wrdreg $0xC0  }
0x24: {  	_ =	task [dreg:s8], $0x5FFFF  }
0x25: {  	[dreg:$0x1] =	wrdreg $0xFFFFFFFF  }
0x26: {  	[dreg:$0x0] =	wrdreg $0x60  }
0x27: {  	[dreg:$0x2] =	wrdreg s2  }
0x28: {  	[dreg:$0x3] =	wrdreg s20  }
0x29: {  	[dreg:$0x4] =	wrdreg $0x9  }
0x2a: {  	_ =	task.clear_ibuf [dreg:s8], $0x5FFFF;
	_ =	strace $0x90000046  }
0x2b: {  	s29 =	simm.s32 $0x9;
	_ =	strace $0x80000048  }
0x2c: {  	_ =	swait.ge [sflag:s29], $0x1  }
0x2d: {  	[sflag:s29] =	ssyncadd.s32 $0xFFFFFFFF  }
0x2e: {  	_ =	strace $0x90000048  }
0x2f: {  	_ =	sfence  }
0x30: {  	s30 =	sld [smem:$0x0];
	_ =	sdelay $0x2  }
0x31: {  	s31 =	sshll.u32 s1, $0xD;
	s1 =	sshrl.u32 s1, $0x2  }
0x32: {  	s3 =	sand.u32 $0x4000, s31;
	s1 =	sadd.s32 s1, s30  }
0x33: {  	s0 =	sor.u32 s3, s0;
	s1 =	sshll.u32 s1, $0x11  }
0x34: {  	s0 =	sor.u32 s1, s0  }
0x35: {  	s0 =	sadd.s32 $0x8F2B, s0  }
0x36: {  	[sflag:s0] =	ssyncadd.remote.s32 $0x1  }
0x37: {  	_ =	sfence.sel $0xFFFF  }
0x38: {  	[dreg:$0x0] =	wrdreg $0xFFFFFFFF;
	(pc) =	sbr.abs _section_cstart, $3  }
0x39: {  	[dreg:$0x1] =	wrdreg $0xFFFFFFFF  }
0x3a: {  	_ =	task.clear_ibuf [dreg:s8], $0x2FFFF;
	_ =	strace $0x9FFFFFFF  }
0x3b: {  	(tm) =	ssettm $0x7FFFFFFF  }
tec
execute0_lowered:
.L_overlay_start_1:
0x0: {  	(tag) =	ssettag $0x1  }
0x1: {  	s0 =	srdreg.scid  }
0x2: {  	s1 =	sshll.u32 s0, $0x4  }
0x3: {  	s2 =	rddreg [dreg:$0x0];
	s0 =	stileid.u32;
	s1 =	sand.u32 $0x10, s1  }
0x4: {  	s4 =	rddreg [dreg:$0x1];
	s1 =	sor.u32 s0, s1  }
0x5: {  	s7 =	simm.s32 $0x1;
	s8 =	simm.s32 $0x2;
	s3 =	sshll.u32 s1, $0x2  }
0x6: {  	s9 =	simm.s32 $0x0;
	s12 =	simm.s32 $0x0;
	s6 =	ssub.s32 $0x2000, s3  }
.Ltmp0:
0x7: {  	s11 =	simm.s32 $0x0;
	s5 =	sand.u32 $0x7C, s6;
	(pc) =	sbr.rel .LBB1_1-.Ltmp0, $4  }
0x8: {  	s1 =	rddreg [dreg:$0x2];
	_ =	strace $0x80000047;
	p0 =	sne.s32 s5, $0x0  }
0x9: {  	s6 =	sshrl.u32 s6, $0x7;
	s5 =	simm.s32 $0x1;
	s7 =	simm.s32 @!p0 $0x0  }
0xa: {  	s10 =	smov.u32 s3;
	[sflag:s5] =	ssyncpa.u1 $0x0;
	s6 =	sadd.s32 s7, s6  }
0xb: {  	[sflag:s8] =	ssyncpa.u1 $0x0;
	s8 =	simm.s32 $0x0;
	s7 =	sadd.s32 $0x1, s6  }
.LBB1_9:
0xc: {  	s14 =	sadd.s32 $0x80, s10  }
0xd: {  	p1 =	sgt.s32 s14, $0x1FFF  }
0xe: {  	s14 =	smov.u32 @p1 s3;
	p1 =	sne.s32 s11, s7  }
.Ltmp1:
0xf: {  	p0 =	slt.u32 s11, $0x2;
	(pc) =	sbr.rel @!p1 .LBB1_10-.Ltmp1, $4  }
0x10: {  	s13 =	simm.s32 @!p0 $0x2  }
0x11: {  	s15 =	sadd.s32 $0x1, s11;
	_ =	swait.ge @!p0 [sflag:s13], $0x4000  }
0x12: {  	s12 =	smov.u32 s10;
	s9 =	sadd.s32 $0x4000, s9;
	[sflag:s13] =	ssyncset.done @!p0 $0x0  }
0x13: {  	s11 =	smov.u32 s15;
	s10 =	smov.u32 s14;
	[sflag:s13] =	ssyncadd.s32 @!p0 $0xFFFFC000  }
.LBB1_1:
0x14: {  	p0 =	sge.u32 s11, s6  }
0x15: {  	s13 =	sxor.u32 @!p0 $0xFFFFFFFF, s11  }
0x16: {  	s31 =	sadd.s32 $0xFFFFFFFF, s11;
	s14 =	sshll.u32 @!p0 s10, $0x9;
	s13 =	sshll.u32 @!p0 s13, $0xE  }
0x17: {  	s15 =	simm.s32 @!p0 $0x0;
	s14 =	sadd.s32 @!p0 s2, s14;
	s13 =	sand.u32 @!p0 $0x4000, s13  }
0x18: {  	[tilespmem:s13], [sflag:$0x1] =	stream.linear.gather @!p0 [hbm4b:s14+s15], $0x4000, $0x38;
	[tilespmem:$0x10000] =	vst v63  }
0x19: {  	p0 =	sge.u32 s31, s6  }
.Ltmp2:
0x1a: {  	_ = 	snop;
	(pc) =	sbr.rel @p0 .LBB1_9-.Ltmp2, $1  }
0x1b: {  	_ =	sdelay $0x3  }
0x1c: {  	s14 =	sand.u32 $0x4000, s9  }
0x1d: {  	_ =	swait.ge [sflag:s5], $0x4000;
	s15 =	sshll.u32 s11, $0xE;
	s16 =	simm.s32 $0x0  }
0x1e: {  	s13 =	sor.u32 $0x40, s14;
	[sflag:s5] =	ssyncset.done $0x0;
	s15 =	sand.u32 $0x4000, s15  }
0x1f: {  	s14 =	sor.u32 $0x8040, s14;
	[sflag:s5] =	ssyncadd.s32 $0xFFFFC000;
	s15 =	sor.u32 $0x8000, s15  }
.LBB1_3:
0x20: {  	s17 =	smov.u32 s14;
	s18 =	smov.u32 s13;
	s19 =	simm.s32 $0x0  }
.LBB1_4:
0x21: {  	v0 =	vmov s17;
	v2 =	vld [tilespmem:s18+$0x30]  }
0x22: {  	v4 =	vld [tilespmem:s18+$0xFFFFFFD0]  }
0x23: {  	v6 =	vld [tilespmem:s18+$0xFFFFFFE0]  }
0x24: {  	v7 =	vld [tilespmem:s18+$0xFFFFFFF0]  }
0x25: {  	s20 =	simm.s32 $0x0;
	v1 =	vld [tilespmem:s18+$0x0]  }
0x26: {  	v3 =	vld [tilespmem:s18+$0x10];
	[tilespmem:v0+s20+$0x30 ss:$0x1] =	vst.idx.msk $0xffff, v2  }
0x27: {  	v5 =	vld [tilespmem:s18+$0x20];
	[tilespmem:v0+s20+$0xFFFFFFD0 ss:$0x1] =	vst.idx.msk $0xffff, v4  }
0x28: {  	s21 =	sadd.s32 $0x80, s18;
	v2 =	vld [tilespmem:s18+$0xFFFFFFC0];
	[tilespmem:v0+s20+$0xFFFFFFE0 ss:$0x1] =	vst.idx.msk $0xffff, v6  }
0x29: {  	s22 =	simm.s32 $0x800;
	s23 =	simm.s32 $0x1000;
	v4 =	vld [tilespmem:s21+$0x30];
	[tilespmem:v0+s20+$0xFFFFFFF0 ss:$0x1] =	vst.idx.msk $0xffff, v7  }
.LBB1_5:
0x2a: {  	p0 =	sne.s32 s23, $0x3800;
	v6 =	vld [tilespmem:s21+$0xFFFFFFD0];
	[tilespmem:v0+s20+$0x0 ss:$0x1] =	vst.idx.msk $0xffff, v1  }
0x2b: {  	v7 =	vld [tilespmem:s21+$0xFFFFFFE0];
	[tilespmem:v0+s20+$0x10 ss:$0x1] =	vst.idx.msk $0xffff, v3  }
0x2c: {  	v8 =	vld [tilespmem:s21+$0xFFFFFFF0];
	[tilespmem:v0+s20+$0x20 ss:$0x1] =	vst.idx.msk $0xffff, v5  }
.Ltmp3:
0x2d: {  	v1 =	vld [tilespmem:s21+$0x0];
	[tilespmem:v0+s20+$0xFFFFFFC0 ss:$0x1] =	vst.idx.msk $0xffff, v2;
	s20 =	sshra.s32 s22, $0x2;
	s22 =	smov.u32 s23;
	(pc) =	sbr.rel @p0 .LBB1_5-.Ltmp3, $4  }
0x2e: {  	v3 =	vld [tilespmem:s21+$0x10];
	[tilespmem:v0+s20+$0x30 ss:$0x1] =	vst.idx.msk $0xffff, v4  }
0x2f: {  	[tilespmem:v0+s20+$0xFFFFFFD0 ss:$0x1] =	vst.idx.msk $0xffff, v6;
	v5 =	vld [tilespmem:s21+$0x20]  }
0x30: {  	v2 =	vld [tilespmem:s21+$0xFFFFFFC0];
	[tilespmem:v0+s20+$0xFFFFFFE0 ss:$0x1] =	vst.idx.msk $0xffff, v7;
	s21 =	sadd.s32 $0x80, s21  }
0x31: {  	s23 =	sadd.s32 $0x800, s23;
	v4 =	vld [tilespmem:s21+$0x30];
	[tilespmem:v0+s20+$0xFFFFFFF0 ss:$0x1] =	vst.idx.msk $0xffff, v8  }
0x32: {  	_ =	sdelay $0x3  }
0x33: {  	v6 =	vld [tilespmem:s21+$0xFFFFFFD0];
	[tilespmem:v0+s20+$0x0 ss:$0x1] =	vst.idx.msk $0xffff, v1  }
0x34: {  	v58 =	vld [tilespmem:s21+$0xFFFFFFE0];
	[tilespmem:v0+s20+$0x10 ss:$0x1] =	vst.idx.msk $0xffff, v3  }
0x35: {  	v59 =	vld [tilespmem:s21+$0xFFFFFFF0];
	[tilespmem:v0+s20+$0x20 ss:$0x1] =	vst.idx.msk $0xffff, v5  }
0x36: {  	s22 =	sshra.s32 s22, $0x2;
	v60 =	vld [tilespmem:s21+$0x0];
	[tilespmem:v0+s20+$0xFFFFFFC0 ss:$0x1] =	vst.idx.msk $0xffff, v2  }
0x37: {  	v61 =	vld [tilespmem:s21+$0x10];
	[tilespmem:v0+s22+$0x30 ss:$0x1] =	vst.idx.msk $0xffff, v4  }
0x38: {  	v62 =	vld [tilespmem:s21+$0x20];
	s19 =	sadd.s32 $0x1, s19;
	[tilespmem:v0+s22+$0xFFFFFFD0 ss:$0x1] =	vst.idx.msk $0xffff, v6  }
0x39: {  	v63 =	vld [tilespmem:s21+$0xFFFFFFC0];
	p0 =	sne.s32 s19, $0x4;
	[tilespmem:v0+s22+$0xFFFFFFE0 ss:$0x1] =	vst.idx.msk $0xffff, v58  }
.Ltmp4:
0x3a: {  	[tilespmem:v0+s22+$0xFFFFFFF0 ss:$0x1] =	vst.idx.msk $0xffff, v59;
	(pc) =	sbr.rel @p0 .LBB1_4-.Ltmp4, $4  }
0x3b: {  	[tilespmem:v0+s22+$0x0 ss:$0x1] =	vst.idx.msk $0xffff, v60  }
0x3c: {  	[tilespmem:v0+s22+$0x10 ss:$0x1] =	vst.idx.msk $0xffff, v61  }
0x3d: {  	[tilespmem:v0+s22+$0x20 ss:$0x1] =	vst.idx.msk $0xffff, v62  }
0x3e: {  	s18 =	sadd.s32 $0x400, s18;
	s17 =	sadd.s32 $0x80, s17;
	[tilespmem:v0+s22+$0xFFFFFFC0 ss:$0x1] =	vst.idx.msk $0xffff, v63  }
0x3f: {  	s16 =	sadd.s32 $0x1, s16  }
0x40: {  	p0 =	sne.s32 s16, $0x4  }
.Ltmp5:
0x41: {  	_ = 	snop;
	(pc) =	sbr.rel @p0 .LBB1_3-.Ltmp5, $2  }
0x42: {  	_ =	sdelay $0x2  }
0x43: {  	s13 =	sadd.s32 $0x1000, s13;
	s14 =	sadd.s32 $0x1000, s14  }
.Ltmp6:
0x44: {  	(pc) =	sbr.rel .LBB1_9-.Ltmp6, $4  }
0x45: {  	_ = 	snop  }
0x46: {  	s12 =	sshll.u32 s12, $0x9  }
0x47: {  	s12 =	sadd.s32 s4, s12  }
0x48: {  	[hbm4b:s12+s8] =	stream.linear.scatter [tilespmem:s15], [sflag:$0x2], $0x4000, $0x38;
	[tilespmem:$0x10000] =	vst v63  }
.LBB1_10:
0x49: {  	_ =	sfence.sel $0x180000  }
0x4a: {  	s2 =	simm.s32 $0x1;
	[bflag:$0x0] =	sbarrier.arrive $0xFFFF  }
0x4b: {  	s31 =	simm.s32 $0x2;
	[sflag:s2] =	ssyncpa.u1 $0x1  }
0x4c: {  	[sflag:s31] =	ssyncpa.u1 $0x1  }
0x4d: {  	p0 =	sne.s32 s0, $0x0;
	_ =	strace $0x90000047  }
0x4e: {  	s0 =	sadd.s32 @!p0 $0x100000, s1;
	[bflag:$0x2] =	sbarrier.arrive $0xFFFF  }
0x4f: {  	[sflag:s0] =	ssyncadd.tile.s32 @!p0 $0x1;
	_ =	shalt  }
.Lfunc_end1:
_tile_overlayer_lowered:
.L_overlay_start_2:
0x50: {  	(tag) =	ssettag $0x2  }
0x51: {  	s0 =	rddreg [dreg:$0x0];
	s2 =	stileid.u32  }
0x52: {  	s1 =	rddreg [dreg:$0x1];
	p0 =	sne.s32 s2, $0x0  }
0x53: {  	s3 =	rddreg [dreg:$0x2];
	[bflag:$0x3] =	sbarrier.arrive $0xFFFF;
	s2 =	simm.s32 @!p0 $0x1C01  }
0x54: {  	[timem:s3], [sflag:s2] =	dma.local @!p0 [hbm:s0], s1  }
0x55: {  	s0 =	simm.s32 @!p0 $0x1  }
0x56: {  	_ =	swait.ge @!p0 [sflag:s0], s1  }
0x57: {  	s1 =	ssub.s32 @!p0 $0x0, s1;
	[sflag:s0] =	ssyncset.done @!p0 $0x0  }
0x58: {  	[sflag:s0] =	ssyncadd.s32 @!p0 s1  }
0x59: {  	[bflag:$0x3] =	sbarrier.arrive $0xFFFF  }
0x5a: {  	_ =	shalt  }

</sc_bundles>
